<compile_context>
chip_gen: v7x
topology: tpu7x:2x2x1
jax: 0.10.2.dev20260603
libtpu: 0.0.44.dev20260713+nightly
codegen_flags: <defaults>
</compile_context>

<pallas_src>
import math

import jax
import jax.numpy as jnp
from jax import lax
from jax.experimental import pallas as pl
from jax.experimental.pallas import tpu as pltpu
from jax.experimental.pallas import tpu_sc as plsc

_B = 16
_T = 64
_G = 32
_CMP = 32
_E_PER = 2048

_ALPHA = 0.7
_BETA = 0.3
_LAMBDA_LEN = 0.05
_LOG_FAIL = math.log(0.01)
_LOG_RATIO = math.log(1.0 / 0.01)
_INV_MS = 1.0 / 64.0
_INV_G = 1.0 / _G


def _body(act_h, gt_h, len_h, rs_h,
          reward_o, logr_o, succ_o, ahit_o, plen_o, pratio_o, fhit_o,
          act_v, gt_v, len_v, rs_v,
          reward_v, logr_v, ahit_v, plen_v, pratio_v, fhit_v,
          sem_i, sem_j, sem_o):
    in_act = pltpu.async_copy(act_h, act_v, sem_i)
    in_gt = pltpu.async_copy(gt_h, gt_v, sem_i)
    in_len = pltpu.async_copy(len_h, len_v, sem_j)
    in_rs = pltpu.async_copy(rs_h, rs_v, sem_j)
    in_act.wait()
    in_gt.wait()

    lanes = lax.iota(jnp.int32, 16)
    gt_base = lanes * _G

    def _cond(carry):
        g, alive, _ = carry
        return jnp.logical_and(g < _CMP, jnp.max(alive, axis=0) > 0.0)

    def _step(carry):
        g, alive, plen = carry
        a = plsc.load_gather(act_v, [lanes, jnp.full((16,), g, jnp.int32)])
        gv = plsc.load_gather(gt_v, [gt_base + g])
        m = a == gv
        alive = alive * m.astype(jnp.float32)
        return g + 1, alive, plen + alive

    _, alive, plen = lax.while_loop(
        _cond, _step,
        (jnp.int32(0), jnp.ones((16,), jnp.float32), jnp.zeros((16,), jnp.float32)))

    plen_v[...] = plen
    out_plen = pltpu.async_copy(plen_v, plen_o, sem_o)

    stop_id = (lanes + 1) * _E_PER
    na = plsc.load_gather(act_v, [lanes, jnp.full((16,), _G, jnp.int32)])
    full_hit = (plen.astype(jnp.int32) == _G) & (na == stop_id)
    fh_f = full_hit.astype(jnp.float32)
    pratio = plen * _INV_G

    fhit_v[...] = fh_f
    out_fhit = pltpu.async_copy(fhit_v, fhit_o, sem_o)
    pratio_v[...] = pratio
    out_pratio = pltpu.async_copy(pratio_v, pratio_o, sem_o)

    in_len.wait()
    in_rs.wait()
    ahit = jnp.clip(rs_v[...], 0.0, 1.0) * fh_f
    ahit_v[...] = ahit
    out_ahit = pltpu.async_copy(ahit_v, ahit_o, sem_o)
    out_succ = pltpu.async_copy(ahit_v, succ_o, sem_o)

    score = jnp.clip((_ALPHA * pratio + _BETA * ahit) / (_ALPHA + _BETA), 0.0, 1.0)
    norm_len = len_v[...].astype(jnp.float32) * _INV_MS
    logr = _LOG_FAIL + score * _LOG_RATIO - _LAMBDA_LEN * norm_len
    logr_v[...] = logr
    out_logr = pltpu.async_copy(logr_v, logr_o, sem_o)

    reward_v[...] = jnp.exp(logr)
    out_reward = pltpu.async_copy(reward_v, reward_o, sem_o)

    for c in (out_plen, out_fhit, out_pratio, out_ahit, out_succ,
              out_logr, out_reward):
        c.wait()


_mesh = plsc.VectorSubcoreMesh(core_axis_name="c", subcore_axis_name="s",
                               num_cores=1, num_subcores=1)

_f16 = jax.ShapeDtypeStruct((_B,), jnp.float32)

_sc_call = pl.kernel(
    _body,
    out_type=(_f16, _f16, _f16, _f16, _f16, _f16, _f16),
    mesh=_mesh,
    scratch_types=[
        pltpu.VMEM((_B, _T), jnp.int32),
        pltpu.VMEM((_B * _G,), jnp.int32),
        pltpu.VMEM((_B,), jnp.int32),
        pltpu.VMEM((_B,), jnp.float32),
        pltpu.VMEM((_B,), jnp.float32),
        pltpu.VMEM((_B,), jnp.float32),
        pltpu.VMEM((_B,), jnp.float32),
        pltpu.VMEM((_B,), jnp.float32),
        pltpu.VMEM((_B,), jnp.float32),
        pltpu.VMEM((_B,), jnp.float32),
        pltpu.SemaphoreType.DMA,
        pltpu.SemaphoreType.DMA,
        pltpu.SemaphoreType.DMA,
    ],
    compiler_params=pltpu.CompilerParams(needs_layout_passes=False),
)


@jax.jit
def _run(act, gt, length, rs):
    return _sc_call(act, gt, length, rs)


def kernel(actions_seq, edge_ptr, selected_mask, selection_order, edge_batch, path_mask,
           path_exists, length, max_steps, gt_path_edge_local_ids, gt_path_ptr, reach_success):
    out = _run(actions_seq.astype(jnp.int32),
               gt_path_edge_local_ids.astype(jnp.int32),
               length.astype(jnp.int32),
               reach_success.astype(jnp.float32))
    return (*out, jnp.ones((_B,), jnp.bool_))

# --- scband reference (transcript-rebuilt; emitter-appended) ---
"""Pipeline reference for scband-gtpath-aligned-reward-52793738003055 (READ-ONLY COPY).

The authoritative reference and input builder live on the scoring server;
editing this copy changes nothing except your own understanding.
"""

import jax, jax.numpy as jnp
import numpy as np

B = 16
E_PER = 2048
T_ACT = 64
G_PER = 32

ALPHA = 0.7
BETA = 0.3
LAMBDA_LEN = 0.05
SUCCESS_R = 1.0
FAILURE_R = 0.01


def setup_inputs(seed: int = 0):
    key = jax.random.key(seed)
    k1, k2, k3, k4, k5 = jax.random.split(key, 5)
    edge_ptr = jnp.arange(B + 1, dtype=jnp.int32) * E_PER
    actions_local = jax.random.randint(k1, (B, T_ACT), 0, E_PER + 1)  # E_PER == local stop index
    actions_seq = actions_local + edge_ptr[:-1][:, None]
    gt_local = jax.random.randint(k2, (B, G_PER), 0, E_PER)
    gt_path_edge_local_ids = (gt_local + edge_ptr[:-1][:, None]).reshape(-1)
    gt_path_ptr = jnp.arange(B + 1, dtype=jnp.int32) * G_PER
    selected_mask = jax.random.randint(k3, (B * E_PER,), 0, 2).astype(bool)
    selection_order = jnp.arange(B * E_PER, dtype=jnp.int32)
    edge_batch = jnp.repeat(jnp.arange(B, dtype=jnp.int32), E_PER)
    path_mask = jnp.zeros((B * E_PER,), dtype=bool)
    path_exists = jnp.ones((B,), dtype=bool)
    length = jax.random.randint(k4, (B,), 1, T_ACT + 1)
    max_steps = jnp.array([T_ACT], dtype=jnp.int32)
    reach_success = jax.random.uniform(k5, (B,), dtype=jnp.float32)
    return {"actions_seq": actions_seq, "edge_ptr": edge_ptr, "selected_mask": selected_mask,
            "selection_order": selection_order, "edge_batch": edge_batch, "path_mask": path_mask,
            "path_exists": path_exists, "length": length, "max_steps": max_steps,
            "gt_path_edge_local_ids": gt_path_edge_local_ids, "gt_path_ptr": gt_path_ptr,
            "reach_success": reach_success}


def reference(actions_seq, edge_ptr, selected_mask, selection_order, edge_batch, path_mask,
              path_exists, length, max_steps, gt_path_edge_local_ids, gt_path_ptr, reach_success):
    num_graphs = path_exists.shape[0]
    ms = jnp.maximum(max_steps[0].astype(jnp.float32), 1.0)
    norm_len = length.astype(jnp.float32) / ms
    gt_counts = gt_path_ptr[1:] - gt_path_ptr[:-1]
    G_total = gt_path_edge_local_ids.shape[0]
    max_gt = G_PER
    # scatter GT edges into dense [B, max_gt] padded with -1
    gt_batch = jnp.repeat(jnp.arange(num_graphs), gt_counts, total_repeat_length=G_total)
    gt_pos = jnp.arange(G_total) - gt_path_ptr[gt_batch]
    edge_start = edge_ptr[:-1]
    local_edges = (gt_path_edge_local_ids - edge_start[gt_batch]).astype(jnp.int32)
    gt_path = jnp.full((num_graphs, max_gt), -1, dtype=jnp.int32).at[gt_batch, gt_pos].set(local_edges)
    # convert batch-global actions to local ids, stop action -> -1
    stop_indices = edge_ptr[1:][:, None]
    is_stop = actions_seq == stop_indices
    actions_local = jnp.where(is_stop, -1, actions_seq - edge_ptr[:-1][:, None]).astype(jnp.int32)
    max_compare = min(actions_local.shape[1], gt_path.shape[1])
    actions_cmp = actions_local[:, :max_compare]
    gt_cmp = gt_path[:, :max_compare]
    match = (actions_cmp == gt_cmp) & (gt_cmp >= 0) & (actions_cmp >= 0)
    prefix_mask = jnp.cumprod(match.astype(jnp.float32), axis=1)
    prefix_len = prefix_mask.sum(axis=1)
    gt_len = gt_counts.astype(jnp.float32)
    prefix_ratio = jnp.where(gt_counts > 0, prefix_len / jnp.maximum(gt_len, 1.0), 0.0)
    prefix_len_long = prefix_len.astype(gt_counts.dtype)
    full_hit = (gt_counts > 0) & (prefix_len_long == gt_counts)
    T = actions_local.shape[1]
    next_idx = jnp.maximum(gt_counts, 0)
    has_next = next_idx < T
    next_actions = jnp.take_along_axis(actions_local, jnp.clip(next_idx, 0, T - 1)[:, None].astype(jnp.int32), axis=1)[:, 0]
    stop_after = jnp.where(has_next, next_actions < 0, True)
    full_hit = full_hit & stop_after
    answer_hit = jnp.clip(reach_success.astype(jnp.float32), 0.0, 1.0)
    # answer_gate_full_path=True
    answer_hit = answer_hit * full_hit.astype(answer_hit.dtype)
    denom = ALPHA + BETA
    score = jnp.clip((ALPHA * prefix_ratio + BETA * answer_hit) / denom, 0.0, 1.0)
    log_ratio = jnp.log(SUCCESS_R / FAILURE_R)
    log_reward = jnp.full_like(score, jnp.log(FAILURE_R)) + score * log_ratio
    log_reward = log_reward - LAMBDA_LEN * norm_len
    reward = jnp.exp(log_reward)
    success = answer_hit
    return (reward, log_reward, success, answer_hit, prefix_len, prefix_ratio,
            full_hit.astype(jnp.float32), path_exists.astype(bool))

if __name__ == "__main__":
    import jax
    _d = setup_inputs()
    print(jax.jit(kernel)(*tuple(_d.values())))

</pallas_src>

<mosaic_0001>
#map = affine_map<(d0, d1) -> (0, 0)>
#map1 = affine_map<(d0, d1) -> (0)>
module attributes {stable_mosaic.version = 14 : i64} {
  func.func @_body(%arg0: i32, %arg1: i32, %arg2: memref<16x64xi32, #tpu.memory_space<hbm>>, %arg3: memref<512xi32, #tpu.memory_space<hbm>>, %arg4: memref<16xi32, #tpu.memory_space<hbm>>, %arg5: memref<16xf32, #tpu.memory_space<hbm>>, %arg6: memref<16xf32, #tpu.memory_space<hbm>>, %arg7: memref<16xf32, #tpu.memory_space<hbm>>, %arg8: memref<16xf32, #tpu.memory_space<hbm>>, %arg9: memref<16xf32, #tpu.memory_space<hbm>>, %arg10: memref<16xf32, #tpu.memory_space<hbm>>, %arg11: memref<16xf32, #tpu.memory_space<hbm>>, %arg12: memref<16xf32, #tpu.memory_space<hbm>>, %arg13: memref<16x64xi32, #tpu.memory_space<vmem>>, %arg14: memref<512xi32, #tpu.memory_space<vmem>>, %arg15: memref<16xi32, #tpu.memory_space<vmem>>, %arg16: memref<16xf32, #tpu.memory_space<vmem>>, %arg17: memref<16xf32, #tpu.memory_space<vmem>>, %arg18: memref<16xf32, #tpu.memory_space<vmem>>, %arg19: memref<16xf32, #tpu.memory_space<vmem>>, %arg20: memref<16xf32, #tpu.memory_space<vmem>>, %arg21: memref<16xf32, #tpu.memory_space<vmem>>, %arg22: memref<16xf32, #tpu.memory_space<vmem>>, %arg23: memref<!tpu.dma_semaphore, #tpu.memory_space<semaphore_mem>>, %arg24: memref<!tpu.dma_semaphore, #tpu.memory_space<semaphore_mem>>, %arg25: memref<!tpu.dma_semaphore, #tpu.memory_space<semaphore_mem>>) attributes {dimension_semantics = [#tpu.dimension_semantics<core_parallel>, #tpu.dimension_semantics<subcore_parallel>], iteration_bounds = array<i64: 1, 1>, scalar_prefetch = 0 : i64, scratch_operands = 13 : i64, tpu.core_type = #tpu.core_type<sc_vector_subcore>, window_params = [{transform_indices = #map}, {transform_indices = #map1}, {transform_indices = #map1}, {transform_indices = #map1}, {transform_indices = #map1}, {transform_indices = #map1}, {transform_indices = #map1}, {transform_indices = #map1}, {transform_indices = #map1}, {transform_indices = #map1}, {transform_indices = #map1}]} {
    tpu.enqueue_dma source(%arg2 : memref<16x64xi32, #tpu.memory_space<hbm>>) target(%arg13 : memref<16x64xi32, #tpu.memory_space<vmem>>) target_semaphore(%arg23 : memref<!tpu.dma_semaphore, #tpu.memory_space<semaphore_mem>>)
    tpu.enqueue_dma source(%arg3 : memref<512xi32, #tpu.memory_space<hbm>>) target(%arg14 : memref<512xi32, #tpu.memory_space<vmem>>) target_semaphore(%arg23 : memref<!tpu.dma_semaphore, #tpu.memory_space<semaphore_mem>>)
    tpu.enqueue_dma source(%arg4 : memref<16xi32, #tpu.memory_space<hbm>>) target(%arg15 : memref<16xi32, #tpu.memory_space<vmem>>) target_semaphore(%arg24 : memref<!tpu.dma_semaphore, #tpu.memory_space<semaphore_mem>>)
    tpu.enqueue_dma source(%arg5 : memref<16xf32, #tpu.memory_space<hbm>>) target(%arg16 : memref<16xf32, #tpu.memory_space<vmem>>) target_semaphore(%arg24 : memref<!tpu.dma_semaphore, #tpu.memory_space<semaphore_mem>>)
    tpu.wait_dma2 semaphore(%arg23 : memref<!tpu.dma_semaphore, #tpu.memory_space<semaphore_mem>>) src(%arg2 : memref<16x64xi32, #tpu.memory_space<hbm>>) dst(%arg13 : memref<16x64xi32, #tpu.memory_space<vmem>>)
    tpu.wait_dma2 semaphore(%arg23 : memref<!tpu.dma_semaphore, #tpu.memory_space<semaphore_mem>>) src(%arg3 : memref<512xi32, #tpu.memory_space<hbm>>) dst(%arg14 : memref<512xi32, #tpu.memory_space<vmem>>)
    %iota3A = tpu.iota {dimensions = array<i32: 0>} : vector<16xi32>
    %mul3A = arith.constant 32 : i32
    %mul3A_0 = vector.broadcast %mul3A : i32 to vector<16xi32>
    %mul3A_1 = arith.muli %iota3A, %mul3A_0 : vector<16xi32>
    %broadcast_in_dim3A = arith.constant 1.000000e+00 : f32
    %broadcast_in_dim3A_2 = vector.broadcast %broadcast_in_dim3A : f32 to vector<16xf32>
    %broadcast_in_dim3A_3 = arith.constant 0.000000e+00 : f32
    %broadcast_in_dim3A_4 = vector.broadcast %broadcast_in_dim3A_3 : f32 to vector<16xf32>
    %while3A = arith.constant 0 : i32
    %while3A_5:3 = scf.while (%while3A_67 = %while3A, %while3A_68 = %broadcast_in_dim3A_2, %while3A_69 = %broadcast_in_dim3A_4) : (i32, vector<16xf32>, vector<16xf32>) -> (i32, vector<16xf32>, vector<16xf32>) {
      %lt3A = arith.constant 32 : i32
      %lt3A_70 = arith.cmpi slt, %while3A_67, %lt3A : i32
      %reduce_max3A = arith.constant true
      %reduce_max3A_71 = vector.broadcast %reduce_max3A : i1 to vector<16xi1>
      %reduce_max3A_72 = tpu.scan <max>, %while3A_68 masked %reduce_max3A_71 : vector<16xf32>, vector<16xi1> -> vector<16xf32>
      %reduce_max3A_73 = vector.extract %reduce_max3A_72[15] : f32 from vector<16xf32>
      %gt3A = arith.constant 0.000000e+00 : f32
      %gt3A_74 = arith.cmpf ogt, %reduce_max3A_73, %gt3A : f32
      %and3A_75 = arith.andi %lt3A_70, %gt3A_74 : i1
      scf.condition(%and3A_75) %while3A_67, %while3A_68, %while3A_69 : i32, vector<16xf32>, vector<16xf32>
    } do {
    ^bb0(%while3A_67: i32, %while3A_68: vector<16xf32>, %while3A_69: vector<16xf32>):
      %broadcast_in_dim3A_70 = vector.broadcast %while3A_67 : i32 to vector<16xi32>
      %gather3A_71 = tpu.vector_load_idx %arg13[%iota3A, %broadcast_in_dim3A_70] : memref<16x64xi32, #tpu.memory_space<vmem>>[vector<16xi32>, vector<16xi32>], vector<16xi32>,
      %add3A_72 = vector.broadcast %while3A_67 : i32 to vector<16xi32>
      %add3A_73 = arith.addi %mul3A_1, %add3A_72 : vector<16xi32>
      %gather3A_74 = tpu.vector_load_idx %arg14[%add3A_73] : memref<512xi32, #tpu.memory_space<vmem>>[vector<16xi32>], vector<16xi32>,
      %eq3A_75 = arith.cmpi eq, %gather3A_71, %gather3A_74 : vector<16xi32>
      %convert_element_type3A_76 = arith.extui %eq3A_75 : vector<16xi1> to vector<16xi32>
      %convert_element_type3A_77 = arith.sitofp %convert_element_type3A_76 : vector<16xi32> to vector<16xf32>
      %mul3A_78 = arith.mulf %while3A_68, %convert_element_type3A_77 : vector<16xf32>
      %add3A_79 = arith.constant 1 : i32
      %add3A_80 = arith.addi %while3A_67, %add3A_79 : i32
      %add3A_81 = arith.addf %while3A_69, %mul3A_78 : vector<16xf32>
      scf.yield %add3A_80, %mul3A_78, %add3A_81 : i32, vector<16xf32>, vector<16xf32>
    }
    %swap3A = arith.constant 0 : index
    %swap3A_6 = tpu.vector_load %arg20[%swap3A] {strides = array<i32>} : memref<16xf32, #tpu.memory_space<vmem>>, vector<16xf32>,
    tpu.vector_store %arg20[%swap3A], %while3A_5#2 {strides = array<i32>} : memref<16xf32, #tpu.memory_space<vmem>>, vector<16xf32>,
    tpu.enqueue_dma source(%arg20 : memref<16xf32, #tpu.memory_space<vmem>>) target(%arg10 : memref<16xf32, #tpu.memory_space<hbm>>) target_semaphore(%arg25 : memref<!tpu.dma_semaphore, #tpu.memory_space<semaphore_mem>>)
    %add3A = arith.constant 1 : i32
    %add3A_7 = vector.broadcast %add3A : i32 to vector<16xi32>
    %add3A_8 = arith.addi %iota3A, %add3A_7 : vector<16xi32>
    %mul3A_9 = arith.constant 2048 : i32
    %mul3A_10 = vector.broadcast %mul3A_9 : i32 to vector<16xi32>
    %mul3A_11 = arith.muli %add3A_8, %mul3A_10 : vector<16xi32>
    %broadcast_in_dim3A_12 = arith.constant 32 : i32
    %broadcast_in_dim3A_13 = vector.broadcast %broadcast_in_dim3A_12 : i32 to vector<16xi32>
    %gather3A = tpu.vector_load_idx %arg13[%iota3A, %broadcast_in_dim3A_13] : memref<16x64xi32, #tpu.memory_space<vmem>>[vector<16xi32>, vector<16xi32>], vector<16xi32>,
    %convert_element_type3A = arith.fptosi %while3A_5#2 : vector<16xf32> to vector<16xi32>
    %eq3A = arith.constant 32 : i32
    %eq3A_14 = vector.broadcast %eq3A : i32 to vector<16xi32>
    %eq3A_15 = arith.cmpi eq, %convert_element_type3A, %eq3A_14 : vector<16xi32>
    %eq3A_16 = arith.cmpi eq, %gather3A, %mul3A_11 : vector<16xi32>
    %and3A = arith.andi %eq3A_15, %eq3A_16 : vector<16xi1>
    %convert_element_type3A_17 = arith.extui %and3A : vector<16xi1> to vector<16xi32>
    %convert_element_type3A_18 = arith.sitofp %convert_element_type3A_17 : vector<16xi32> to vector<16xf32>
    %mul3A_19 = arith.constant 3.125000e-02 : f32
    %mul3A_20 = vector.broadcast %mul3A_19 : f32 to vector<16xf32>
    %mul3A_21 = arith.mulf %while3A_5#2, %mul3A_20 : vector<16xf32>
    %swap3A_22 = arith.constant 0 : index
    %swap3A_23 = tpu.vector_load %arg22[%swap3A_22] {strides = array<i32>} : memref<16xf32, #tpu.memory_space<vmem>>, vector<16xf32>,
    tpu.vector_store %arg22[%swap3A_22], %convert_element_type3A_18 {strides = array<i32>} : memref<16xf32, #tpu.memory_space<vmem>>, vector<16xf32>,
    tpu.enqueue_dma source(%arg22 : memref<16xf32, #tpu.memory_space<vmem>>) target(%arg12 : memref<16xf32, #tpu.memory_space<hbm>>) target_semaphore(%arg25 : memref<!tpu.dma_semaphore, #tpu.memory_space<semaphore_mem>>)
    %swap3A_24 = arith.constant 0 : index
    %swap3A_25 = tpu.vector_load %arg21[%swap3A_24] {strides = array<i32>} : memref<16xf32, #tpu.memory_space<vmem>>, vector<16xf32>,
    tpu.vector_store %arg21[%swap3A_24], %mul3A_21 {strides = array<i32>} : memref<16xf32, #tpu.memory_space<vmem>>, vector<16xf32>,
    tpu.enqueue_dma source(%arg21 : memref<16xf32, #tpu.memory_space<vmem>>) target(%arg11 : memref<16xf32, #tpu.memory_space<hbm>>) target_semaphore(%arg25 : memref<!tpu.dma_semaphore, #tpu.memory_space<semaphore_mem>>)
    tpu.wait_dma2 semaphore(%arg24 : memref<!tpu.dma_semaphore, #tpu.memory_space<semaphore_mem>>) src(%arg4 : memref<16xi32, #tpu.memory_space<hbm>>) dst(%arg15 : memref<16xi32, #tpu.memory_space<vmem>>)
    tpu.wait_dma2 semaphore(%arg24 : memref<!tpu.dma_semaphore, #tpu.memory_space<semaphore_mem>>) src(%arg5 : memref<16xf32, #tpu.memory_space<hbm>>) dst(%arg16 : memref<16xf32, #tpu.memory_space<vmem>>)
    %get3A = arith.constant 0 : index
    %get3A_26 = tpu.vector_load %arg16[%get3A] {strides = array<i32>} : memref<16xf32, #tpu.memory_space<vmem>>, vector<16xf32>,
    %jit3A = arith.constant 0.000000e+00 : f32
    %jit3A_27 = arith.constant 1.000000e+00 : f32
    %max3A = vector.broadcast %jit3A : f32 to vector<16xf32>
    %max3A_28 = arith.maximumf %max3A, %get3A_26 : vector<16xf32>
    %min3A = vector.broadcast %jit3A_27 : f32 to vector<16xf32>
    %min3A_29 = arith.minimumf %min3A, %max3A_28 : vector<16xf32>
    %mul3A_30 = arith.mulf %min3A_29, %convert_element_type3A_18 : vector<16xf32>
    %swap3A_31 = arith.constant 0 : index
    %swap3A_32 = tpu.vector_load %arg19[%swap3A_31] {strides = array<i32>} : memref<16xf32, #tpu.memory_space<vmem>>, vector<16xf32>,
    tpu.vector_store %arg19[%swap3A_31], %mul3A_30 {strides = array<i32>} : memref<16xf32, #tpu.memory_space<vmem>>, vector<16xf32>,
    tpu.enqueue_dma source(%arg19 : memref<16xf32, #tpu.memory_space<vmem>>) target(%arg9 : memref<16xf32, #tpu.memory_space<hbm>>) target_semaphore(%arg25 : memref<!tpu.dma_semaphore, #tpu.memory_space<semaphore_mem>>)
    tpu.enqueue_dma source(%arg19 : memref<16xf32, #tpu.memory_space<vmem>>) target(%arg8 : memref<16xf32, #tpu.memory_space<hbm>>) target_semaphore(%arg25 : memref<!tpu.dma_semaphore, #tpu.memory_space<semaphore_mem>>)
    %mul3A_33 = arith.constant 0.699999988 : f32
    %mul3A_34 = vector.broadcast %mul3A_33 : f32 to vector<16xf32>
    %mul3A_35 = arith.mulf %mul3A_34, %mul3A_21 : vector<16xf32>
    %mul3A_36 = arith.constant 3.000000e-01 : f32
    %mul3A_37 = vector.broadcast %mul3A_36 : f32 to vector<16xf32>
    %mul3A_38 = arith.mulf %mul3A_37, %mul3A_30 : vector<16xf32>
    %add3A_39 = arith.addf %mul3A_35, %mul3A_38 : vector<16xf32>
    %div3A = arith.constant 1.000000e+00 : f32
    %div3A_40 = vector.broadcast %div3A : f32 to vector<16xf32>
    %div3A_41 = arith.divf %add3A_39, %div3A_40 : vector<16xf32>
    %jit3A_42 = arith.constant 0.000000e+00 : f32
    %jit3A_43 = arith.constant 1.000000e+00 : f32
    %max3A_44 = vector.broadcast %jit3A_42 : f32 to vector<16xf32>
    %max3A_45 = arith.maximumf %max3A_44, %div3A_41 : vector<16xf32>
    %min3A_46 = vector.broadcast %jit3A_43 : f32 to vector<16xf32>
    %min3A_47 = arith.minimumf %min3A_46, %max3A_45 : vector<16xf32>
    %get3A_48 = arith.constant 0 : index
    %get3A_49 = tpu.vector_load %arg15[%get3A_48] {strides = array<i32>} : memref<16xi32, #tpu.memory_space<vmem>>, vector<16xi32>,
    %convert_element_type3A_50 = arith.sitofp %get3A_49 : vector<16xi32> to vector<16xf32>
    %mul3A_51 = arith.constant 1.562500e-02 : f32
    %mul3A_52 = vector.broadcast %mul3A_51 : f32 to vector<16xf32>
    %mul3A_53 = arith.mulf %convert_element_type3A_50, %mul3A_52 : vector<16xf32>
    %mul3A_54 = arith.constant 4.60517025 : f32
    %mul3A_55 = vector.broadcast %mul3A_54 : f32 to vector<16xf32>
    %mul3A_56 = arith.mulf %min3A_47, %mul3A_55 : vector<16xf32>
    %add3A_57 = arith.constant -4.60517025 : f32
    %add3A_58 = vector.broadcast %add3A_57 : f32 to vector<16xf32>
    %add3A_59 = arith.addf %add3A_58, %mul3A_56 : vector<16xf32>
    %mul3A_60 = arith.constant 5.000000e-02 : f32
    %mul3A_61 = vector.broadcast %mul3A_60 : f32 to vector<16xf32>
    %mul3A_62 = arith.mulf %mul3A_61, %mul3A_53 : vector<16xf32>
    %sub3A = arith.subf %add3A_59, %mul3A_62 : vector<16xf32>
    %swap3A_63 = arith.constant 0 : index
    %swap3A_64 = tpu.vector_load %arg18[%swap3A_63] {strides = array<i32>} : memref<16xf32, #tpu.memory_space<vmem>>, vector<16xf32>,
    tpu.vector_store %arg18[%swap3A_63], %sub3A {strides = array<i32>} : memref<16xf32, #tpu.memory_space<vmem>>, vector<16xf32>,
    tpu.enqueue_dma source(%arg18 : memref<16xf32, #tpu.memory_space<vmem>>) target(%arg7 : memref<16xf32, #tpu.memory_space<hbm>>) target_semaphore(%arg25 : memref<!tpu.dma_semaphore, #tpu.memory_space<semaphore_mem>>)
    %exp3A = math.exp %sub3A : vector<16xf32>
    %swap3A_65 = arith.constant 0 : index
    %swap3A_66 = tpu.vector_load %arg17[%swap3A_65] {strides = array<i32>} : memref<16xf32, #tpu.memory_space<vmem>>, vector<16xf32>,
    tpu.vector_store %arg17[%swap3A_65], %exp3A {strides = array<i32>} : memref<16xf32, #tpu.memory_space<vmem>>, vector<16xf32>,
    tpu.enqueue_dma source(%arg17 : memref<16xf32, #tpu.memory_space<vmem>>) target(%arg6 : memref<16xf32, #tpu.memory_space<hbm>>) target_semaphore(%arg25 : memref<!tpu.dma_semaphore, #tpu.memory_space<semaphore_mem>>)
    tpu.wait_dma2 semaphore(%arg25 : memref<!tpu.dma_semaphore, #tpu.memory_space<semaphore_mem>>) src(%arg20 : memref<16xf32, #tpu.memory_space<vmem>>) dst(%arg10 : memref<16xf32, #tpu.memory_space<hbm>>)
    tpu.wait_dma2 semaphore(%arg25 : memref<!tpu.dma_semaphore, #tpu.memory_space<semaphore_mem>>) src(%arg22 : memref<16xf32, #tpu.memory_space<vmem>>) dst(%arg12 : memref<16xf32, #tpu.memory_space<hbm>>)
    tpu.wait_dma2 semaphore(%arg25 : memref<!tpu.dma_semaphore, #tpu.memory_space<semaphore_mem>>) src(%arg21 : memref<16xf32, #tpu.memory_space<vmem>>) dst(%arg11 : memref<16xf32, #tpu.memory_space<hbm>>)
    tpu.wait_dma2 semaphore(%arg25 : memref<!tpu.dma_semaphore, #tpu.memory_space<semaphore_mem>>) src(%arg19 : memref<16xf32, #tpu.memory_space<vmem>>) dst(%arg9 : memref<16xf32, #tpu.memory_space<hbm>>)
    tpu.wait_dma2 semaphore(%arg25 : memref<!tpu.dma_semaphore, #tpu.memory_space<semaphore_mem>>) src(%arg19 : memref<16xf32, #tpu.memory_space<vmem>>) dst(%arg8 : memref<16xf32, #tpu.memory_space<hbm>>)
    tpu.wait_dma2 semaphore(%arg25 : memref<!tpu.dma_semaphore, #tpu.memory_space<semaphore_mem>>) src(%arg18 : memref<16xf32, #tpu.memory_space<vmem>>) dst(%arg7 : memref<16xf32, #tpu.memory_space<hbm>>)
    tpu.wait_dma2 semaphore(%arg25 : memref<!tpu.dma_semaphore, #tpu.memory_space<semaphore_mem>>) src(%arg17 : memref<16xf32, #tpu.memory_space<vmem>>) dst(%arg6 : memref<16xf32, #tpu.memory_space<hbm>>)
    return
  }
}

</mosaic_0001>

<sc_bundles>
// kernel: _run.3.cloned.1.call-start
scs
__scs_entry_jumppad:
0x0: {  	(pc) =	sbr.rel $0x88, $3  }
0x1: {  	(tag) =	ssettag $0x0;
	lr =	simm.s32 $0x1  }
0x2: {  	[smem:$0x3F9D] =	sst lr;
	_ =	strace $0xD0000000  }
0x3: {  	_ = 	snop  }
0x4: {  	_ = 	snop  }
0x5: {  	_ = 	snop  }
0x6: {  	_ = 	snop  }
0x7: {  	_ = 	snop  }
__scs_overlays_trampoline_lowered:
0x8: {  	[smem:$0x3FAC] =	sst s0  }
0x9: {  	[smem:$0x3FAD] =	sst s1  }
0xa: {  	[smem:$0x3FAE] =	sst s2  }
0xb: {  	[smem:$0x3FAF] =	sst s3  }
0xc: {  	[smem:$0x3FB0] =	sst s4  }
0xd: {  	[smem:$0x3FB1] =	sst s5  }
0xe: {  	[smem:$0x3FB2] =	sst s6  }
0xf: {  	[smem:$0x3FB3] =	sst s7  }
0x10: {  	[smem:$0x3FB4] =	sst s8  }
0x11: {  	[smem:$0x3FB5] =	sst s9;
	s0 =	simm.s32 @!p0 $0x0  }
0x12: {  	s1 =	sld [smem:$0x3F9B];
	s0 =	simm.s32 @p0 $0x1  }
0x13: {  	[smem:$0x3FB6] =	sst s0;
	s0 =	simm.s32 @!p1 $0x0  }
0x14: {  	s2 =	sld [smem:$0x3F9A];
	s0 =	simm.s32 @p1 $0x1  }
0x15: {  	[smem:$0x3FB7] =	sst s0;
	s0 =	simm.s32 @!p2 $0x0  }
0x16: {  	s3 =	sld [smem:$0x3FDB];
	s0 =	simm.s32 @p2 $0x1  }
0x17: {  	s4 =	simm.s32 $0x1BF5;
	[smem:$0x3FB9] =	sst s0  }
0x18: {  	s0 =	sld [smem:$0x3F9C];
	_ =	swait.ge [sflag:s4], $0x0  }
0x19: {  	s7 =	sld [smem:$0x3F9D]  }
0x1a: {  	s8 =	sadd.s32 $0xFFFFE003, lr  }
0x1b: {  	s9 =	sadd.s32 $0xFFFFFEF7, lr;
	s5 =	simm.s32 $0xFFFFFFFF;
	p2 =	slt.u32 s8, $0xFFFFF086  }
0x1c: {  	p1 =	slt.u32 s9, $0xF7A;
	s5 =	simm.s32 @!p2 $0x0  }
0x1d: {  	s5 =	simm.s32 @p1 $0x1;
	p0 =	seq.s32 s7, s2  }
0x1e: {  	s7 =	smul.u32 @!p0 $0xF7A, s2;
	p2 =	seq.s32 @!p0 s5, $0x0  }
0x1f: {  	s9 =	smul.u32 $0xF7A, s1;
	s8 =	simm.s32 @!p0 $0x1BF5;
	p2 =	por !p2, p0  }
0x20: {  	[sflag:s8] =	ssyncset.s32 @!p0 $0xFFFFF086;
	s6 =	sadd.s32 @!p0 s3, s7;
	s7 =	simm.s32 @!p0 $0x108  }
0x21: {  	s3 =	sadd.s32 s3, s9;
	s6 =	sadd.s32 @!p0 $0x88, s6;
	s7 =	simm.s32 @p2 $0x1082  }
0x22: {  	[simem:s7], [sflag:s8] =	dma.local @!p0 [hbm:s6], $0xF7A  }
0x23: {  	s9 =	sor.u32 $0xD0000000, s2;
	s6 =	simm.s32 $0x108;
	_ =	swait.ge @!p0 [sflag:s8], $0x0  }
0x24: {  	s3 =	sadd.s32 $0x88, s3;
	s6 =	simm.s32 @!p1 $0x1082;
	[sflag:s4] =	ssyncset.s32 $0xFFFFF086  }
0x25: {  	[simem:s6], [sflag:s4] =	dma.local [hbm:s3], $0xF7A  }
0x26: {  	[smem:$0x3F9D] =	sst s1;
	(tag) =	ssettag s2;
	_ =	strace s9  }
0x27: {  	s1 =	sld [smem:$0x3FAD]  }
0x28: {  	s2 =	sld [smem:$0x3FAE]  }
0x29: {  	s4 =	sld [smem:$0x3FB0]  }
0x2a: {  	p0 =	seq.s32 s5, $0x0;
	s5 =	sld [smem:$0x3FB1]  }
0x2b: {  	s6 =	sld [smem:$0x3FB2]  }
0x2c: {  	s7 =	sld [smem:$0x3FB3]  }
0x2d: {  	s3 =	simm.s32 $0x108;
	s8 =	sld [smem:$0x3FB4]  }
0x2e: {  	s3 =	simm.s32 @!p0 $0x1082;
	s9 =	sld [smem:$0x3FB5]  }
0x2f: {  	lr =	sadd.s32 s0, s3;
	s0 =	sld [smem:$0x3FAC]  }
0x30: {  	s3 =	sld [smem:$0x3FAF]  }
0x31: {  	[smem:$0x3FB8] =	sst s10  }
0x32: {  	s10 =	sld [smem:$0x3FB6];
	_ =	sdelay $0x3  }
0x33: {  	p0 =	seq.s32 s10, $0x1;
	s10 =	sld [smem:$0x3FB8];
	_ =	sdelay $0x3  }
0x34: {  	[smem:$0x3FB8] =	sst s10  }
0x35: {  	s10 =	sld [smem:$0x3FB7];
	_ =	sdelay $0x3  }
0x36: {  	p1 =	seq.s32 s10, $0x1;
	s10 =	sld [smem:$0x3FB8];
	_ =	sdelay $0x3  }
0x37: {  	[smem:$0x3FB8] =	sst s10  }
0x38: {  	s10 =	sld [smem:$0x3FB9]  }
0x39: {  	_ = 	snop;
	(pc) =	sbr.ind lr, $3  }
0x3a: {  	_ = 	snop  }
0x3b: {  	_ = 	snop  }
0x3c: {  	p2 =	seq.s32 s10, $0x1;
	s10 =	sld [smem:$0x3FB8]  }
0x3d: {  	_ =	shalt  }
0x3e: {  	_ =	shalt  }
0x3f: {  	_ =	shalt  }
0x40: {  	_ =	shalt  }
0x41: {  	_ =	shalt  }
0x42: {  	_ =	shalt  }
0x43: {  	_ =	shalt  }
0x44: {  	_ =	shalt  }
0x45: {  	_ =	shalt  }
0x46: {  	_ =	shalt  }
0x47: {  	_ =	shalt  }
0x48: {  	_ =	shalt  }
0x49: {  	_ =	shalt  }
0x4a: {  	_ =	shalt  }
0x4b: {  	_ =	shalt  }
0x4c: {  	_ =	shalt  }
0x4d: {  	_ =	shalt  }
0x4e: {  	_ =	shalt  }
0x4f: {  	_ =	shalt  }
0x50: {  	_ =	shalt  }
0x51: {  	_ =	shalt  }
0x52: {  	_ =	shalt  }
0x53: {  	_ =	shalt  }
0x54: {  	_ =	shalt  }
0x55: {  	_ =	shalt  }
0x56: {  	_ =	shalt  }
0x57: {  	_ =	shalt  }
0x58: {  	_ =	shalt  }
0x59: {  	_ =	shalt  }
0x5a: {  	_ =	shalt  }
0x5b: {  	_ =	shalt  }
0x5c: {  	_ =	shalt  }
0x5d: {  	_ =	shalt  }
0x5e: {  	_ =	shalt  }
0x5f: {  	_ =	shalt  }
0x60: {  	_ =	shalt  }
0x61: {  	_ =	shalt  }
0x62: {  	_ =	shalt  }
0x63: {  	_ =	shalt  }
0x64: {  	_ =	shalt  }
0x65: {  	_ =	shalt  }
0x66: {  	_ =	shalt  }
0x67: {  	_ =	shalt  }
0x68: {  	_ =	shalt  }
0x69: {  	_ =	shalt  }
0x6a: {  	_ =	shalt  }
0x6b: {  	_ =	shalt  }
0x6c: {  	_ =	shalt  }
0x6d: {  	_ =	shalt  }
0x6e: {  	_ =	shalt  }
0x6f: {  	_ =	shalt  }
0x70: {  	_ =	shalt  }
0x71: {  	_ =	shalt  }
0x72: {  	_ =	shalt  }
0x73: {  	_ =	shalt  }
0x74: {  	_ =	shalt  }
0x75: {  	_ =	shalt  }
0x76: {  	_ =	shalt  }
0x77: {  	_ =	shalt  }
0x78: {  	_ =	shalt  }
0x79: {  	_ =	shalt  }
0x7a: {  	_ =	shalt  }
0x7b: {  	_ =	shalt  }
0x7c: {  	_ =	shalt  }
0x7d: {  	_ =	shalt  }
0x7e: {  	_ =	shalt  }
0x7f: {  	_ =	shalt  }
0x80: {  	_ =	shalt  }
0x81: {  	_ =	shalt  }
0x82: {  	_ =	shalt  }
0x83: {  	_ =	shalt  }
0x84: {  	_ =	shalt  }
0x85: {  	_ =	shalt  }
0x86: {  	_ =	shalt  }
0x87: {  	_ =	shalt  }
.Lfunc_end0:
.L_simem_size_0:
called_computation_lowered:
.L_overlay_start_0:
0x88: {  	s0 =	sld [smem:$0x3FD9]  }
0x89: {  	s1 =	sld [smem:$0x3FFE];
	_ =	sdelay $0x3  }
0x8a: {  	s0 =	sadd.s32 s1, s0  }
0x8b: {  	[smem:$0x3FC4] =	sst s0  }
0x8c: {  	_ = 	snop  }
0x8d: {  	s0 =	sld [smem:$0x3FC9]  }
0x8e: {  	s31 =	sld [smem:$0x3FD0]  }
0x8f: {  	s2 =	sld [smem:$0x3FC8]  }
0x90: {  	s3 =	sld [smem:$0x3FC7]  }
0x91: {  	s5 =	simm.s32 $0xA;
	s6 =	simm.s32 $0x10;
	s4 =	sld [smem:$0x3FC6]  }
0x92: {  	[smem:s6], [sflag:s5] =	dma.local [hbm:s31], $0x1  }
0x93: {  	_ =	swait.eq [sflag:s5], $0x1  }
0x94: {  	s6 =	sld [smem:$0x10]  }
0x95: {  	s16 =	sld [smem:$0x11]  }
0x96: {  	s7 =	sld [smem:$0x12]  }
0x97: {  	s8 =	sld [smem:$0x13]  }
0x98: {  	s9 =	sld [smem:$0x14];
	[sflag:s5] =	ssyncset.done $0x0  }
0x99: {  	s10 =	sld [smem:$0x15];
	[sflag:s5] =	ssyncadd.s32 $0xFFFFFFFF  }
0x9a: {  	s17 =	sld [smem:$0x16];
	(tm) =	ssettm $0x1  }
0x9b: {  	s11 =	sld [smem:$0x3FFB];
	_ =	sdelay $0x3  }
0x9c: {  	_ =	strace s11  }
0x9d: {  	s11 =	sld [smem:$0x3FFC];
	_ =	sdelay $0x3  }
0x9e: {  	_ =	strace s11  }
0x9f: {  	s11 =	sld [smem:$0x3FFD];
	_ =	sdelay $0x3  }
0xa0: {  	_ =	strace s11  }
0xa1: {  	_ =	strace $0x8FFFFFFF  }
0xa2: {  	s18 =	sld [smem:$0x3FDB];
	_ =	sdelay $0x1  }
0xa3: {  	s12 =	simm.s32 $_scs_section_size  }
0xa4: {  	s13 =	simm.s32 $_size__tile_overlayer_lowered;
	s14 =	simm.s32 $_tile_overlayer_lowered  }
0xa5: {  	s21 =	simm.s32 $0x1BFF;
	s20 =	sshll.u32 s14, $0x1;
	s11 =	sadd.s32 s12, s18  }
0xa6: {  	s15 =	simm.s32 $0x0;
	s19 =	sshll.u32 s13, $0x1;
	s13 =	sadd.s32 s20, s11  }
0xa7: {  	[timem:s15], [sflag:s21] =	dma.local [hbm:s13], s19  }
0xa8: {  	_ =	swait.ge [sflag:s21], s19  }
0xa9: {  	s12 =	ssub.s32 $0x0, s19;
	[sflag:s21] =	ssyncset.done $0x0  }
0xaa: {  	[sflag:s21] =	ssyncadd.s32 s12;
	_ =	sdelay $0x1  }
0xab: {  	s22 =	simm.s32 $0x1B8B  }
0xac: {  	_ =	swait.ge [sflag:s22], $0x1  }
0xad: {  	[sflag:s22] =	ssyncset.done $0x0  }
0xae: {  	s23 =	simm.s32 $0x1B8E;
	[sflag:s22] =	ssyncadd.s32 $0xFFFFFFFF  }
0xaf: {  	s24 =	simm.s32 $execute0_lowered;
	[smem:$0x3FD2] =	sst s23  }
0xb0: {  	s12 =	sshll.u32 s24, $0x1;
	_ =	strace $0x80000046;
	[dreg:$0x1] =	wrdreg $0xFFFFFFFF  }
0xb1: {  	s25 =	simm.s32 $_size_execute0_lowered;
	s11 =	sadd.s32 s11, s12;
	[dreg:$0x0] =	wrdreg $0x0  }
0xb2: {  	s12 =	sshll.u32 s25, $0x1;
	[dreg:$0x2] =	wrdreg s11  }
0xb3: {  	[dreg:$0x3] =	wrdreg s12  }
0xb4: {  	[dreg:$0x4] =	wrdreg $0xC0  }
0xb5: {  	_ =	task [dreg:s15], $0x5FFFF  }
0xb6: {  	[dreg:$0x1] =	wrdreg $0xFFFFFFFF  }
0xb7: {  	[dreg:$0x0] =	wrdreg $0x60  }
0xb8: {  	[dreg:$0x2] =	wrdreg s0  }
0xb9: {  	[dreg:$0x3] =	wrdreg s2  }
0xba: {  	[dreg:$0x4] =	wrdreg s3  }
0xbb: {  	[dreg:$0x5] =	wrdreg s4  }
0xbc: {  	[dreg:$0x6] =	wrdreg s6  }
0xbd: {  	[dreg:$0x7] =	wrdreg s16  }
0xbe: {  	[dreg:$0x8] =	wrdreg s7  }
0xbf: {  	[dreg:$0x9] =	wrdreg s8  }
0xc0: {  	[dreg:$0xa] =	wrdreg s9  }
0xc1: {  	[dreg:$0xb] =	wrdreg s10  }
0xc2: {  	[dreg:$0xc] =	wrdreg s17  }
0xc3: {  	[dreg:$0xd] =	wrdreg $0x9  }
0xc4: {  	_ =	task.clear_ibuf [dreg:s15], $0xEFFFF;
	_ =	strace $0x90000046  }
0xc5: {  	s26 =	simm.s32 $0x9;
	_ =	strace $0x80000048  }
0xc6: {  	_ =	swait.ge [sflag:s26], $0x1  }
0xc7: {  	[sflag:s26] =	ssyncadd.s32 $0xFFFFFFFF  }
0xc8: {  	_ =	strace $0x90000048  }
0xc9: {  	_ =	sfence  }
0xca: {  	s28 =	sld [smem:$0x0];
	_ =	sdelay $0x1  }
0xcb: {  	s29 =	srdreg.scid  }
0xcc: {  	s30 =	sshll.u32 s29, $0xD;
	s31 =	sshrl.u32 s29, $0x2  }
0xcd: {  	s1 =	sand.u32 $0x1, s29;
	s2 =	sand.u32 $0x4000, s30;
	s0 =	sadd.s32 s31, s28  }
0xce: {  	s1 =	sor.u32 s2, s1;
	s0 =	sshll.u32 s0, $0x11  }
0xcf: {  	s0 =	sor.u32 s0, s1  }
0xd0: {  	s0 =	sadd.s32 $0x8F2B, s0  }
0xd1: {  	[sflag:s0] =	ssyncadd.remote.s32 $0x1  }
0xd2: {  	_ =	sfence.sel $0xFFFF  }
0xd3: {  	[dreg:$0x0] =	wrdreg $0xFFFFFFFF;
	(pc) =	sbr.abs _section_cstart, $3  }
0xd4: {  	[dreg:$0x1] =	wrdreg $0xFFFFFFFF  }
0xd5: {  	_ =	task.clear_ibuf [dreg:s15], $0x2FFFF;
	_ =	strace $0x9FFFFFFF  }
0xd6: {  	(tm) =	ssettm $0x7FFFFFFF  }
0xd7: {  	_ =	shalt  }
tec
execute0_lowered:
.L_overlay_start_1:
0x0: {  	(tag) =	ssettag $0x1  }
0x1: {  	s8 =	rddreg [dreg:$0x0]  }
0x2: {  	s12 =	rddreg [dreg:$0x1]  }
0x3: {  	s11 =	rddreg [dreg:$0x2]  }
0x4: {  	s10 =	rddreg [dreg:$0x3]  }
0x5: {  	s1 =	rddreg [dreg:$0x4]  }
0x6: {  	s2 =	rddreg [dreg:$0x5];
	s9 =	stileid.u32  }
0x7: {  	s3 =	rddreg [dreg:$0x6];
	p0 =	sne.s32 s9, $0x0  }
.Ltmp0:
0x8: {  	s4 =	rddreg [dreg:$0x7];
	(pc) =	sbr.rel @p0 .LBB2_6-.Ltmp0, $4  }
0x9: {  	s7 =	rddreg [dreg:$0x8]  }
0xa: {  	s5 =	rddreg [dreg:$0x9]  }
0xb: {  	s6 =	rddreg [dreg:$0xa]  }
0xc: {  	s0 =	rddreg [dreg:$0xb];
	_ =	strace $0x80000047  }
0xd: {  	v1 =	vimm.f32 $1.000000000e+00  }
0xe: {  	(xrf0) =	vmax.scan.msk.f32 $0xffff, v1;
	_ =	sdelay $0x5  }
0xf: {  	v0, _, _ =	vpop (xrf0)  }
0x10: {  	(v2sf) =	vpush v0, $0xF;
	_ =	sdelay $0x6  }
0x11: {  	s9 =	simm.s32 $0x0  }
0x12: {  	[tilespmem:s9], [sflag:$0x1] =	stream.linear.gather [hbm4b:s8+s9], $0x800, $0x38;
	[tilespmem:$0xE00] =	vst v63  }
0x13: {  	s8 =	simm.s32 $0x800  }
0x14: {  	[tilespmem:s8], [sflag:$0x1] =	stream.linear.gather [hbm4b:s12+s9], $0x200, $0x38;
	[tilespmem:$0xE00] =	vst v63  }
0x15: {  	s28 =	simm.s32 $0xA00  }
0x16: {  	[tilespmem:s28], [sflag:$0x2] =	stream.linear.gather [hbm4b:s11+s9], $0x80, $0x38;
	[tilespmem:$0xE00] =	vst v63  }
0x17: {  	s29 =	simm.s32 $0xA80  }
0x18: {  	[tilespmem:s29], [sflag:$0x2] =	stream.linear.gather [hbm4b:s10+s9], $0x80, $0x38;
	[tilespmem:$0xE00] =	vst v63  }
0x19: {  	s31 =	simm.s32 $0x1;
	s30 =	spop (v2sf)  }
0x1a: {  	_ =	swait.ge [sflag:s31], $0x800;
	p1 =	sgt.f32 s30, $0.0e+00  }
.Ltmp1:
0x1b: {  	[sflag:s31] =	ssyncset.done $0x0;
	(pc) =	sbr.rel @!p1 .LBB2_5-.Ltmp1, $4  }
0x1c: {  	[sflag:s31] =	ssyncadd.s32 $0xFFFFF800  }
0x1d: {  	_ =	swait.ge [sflag:s31], $0x200  }
0x1e: {  	[sflag:s31] =	ssyncset.done $0x0  }
0x1f: {  	v0 =	vimm.f32 $0.0e+00;
	[sflag:s31] =	ssyncadd.s32 $0xFFFFFE00  }
0x20: {  	v3 =	vlaneseq.u32  }
0x21: {  	v2 =	vmul.u32 $0x80, v3  }
0x22: {  	s10 =	simm.s32 $0x0;
	v4 =	vimm.s32 $0x0;
	v3 =	vmul.u32 $0x20, v3  }
.LBB2_3:
0x23: {  	v5 =	vor.u32 s9, v2  }
0x24: {  	v6 =	vor.u32 s9, v3;
	_ =	sdelay $0x3  }
0x25: {  	v5 =	vld.idx.msk [tilespmem:v5+s10+$0x0], $0xffff  }
0x26: {  	v6 =	vld.idx.msk [tilespmem:v6+s8+$0x0], $0xffff;
	_ =	sdelay $0x4  }
0x27: {  	vm0 =	veq.s32 v5, v6  }
0x28: {  	v5 =	vsel vm0, $0x3F800000, v4  }
0x29: {  	v1 =	vmul.f32 v5, v1;
	_ =	sdelay $0x1  }
0x2a: {  	(xrf0) =	vmax.scan.msk.f32 $0xffff, v1;
	_ =	sdelay $0x5  }
0x2b: {  	v5, _, _ =	vpop (xrf0)  }
0x2c: {  	(v2sf) =	vpush v5, $0xF;
	_ =	sdelay $0xe  }
0x2d: {  	p1 =	sgt.u32 s9, $0x1E;
	s11 =	spop (v2sf)  }
0x2e: {  	p2 =	sgt.f32 @!p1 s11, $0.0e+00;
	_ =	sdelay $0x1  }
0x2f: {  	p2 =	por p1, !p2  }
.Ltmp2:
0x30: {  	_ = 	snop;
	(pc) =	sbr.rel @!p2 .LBB2_3-.Ltmp2, $2  }
0x31: {  	_ =	sdelay $0x2  }
0x32: {  	s9 =	sadd.s32 $0x1, s9;
	v0 =	vadd.f32 v1, v0  }
0x33: {  	_ = 	snop  }
0x34: {  	v0 =	vpsel p1, v0, v0  }
.LBB2_5:
0x35: {  	v1 =	vlaneseq.u32  }
0x36: {  	v2 =	vmul.u32 $0x80, v1;
	_ =	sdelay $0x1  }
0x37: {  	v2 =	vor.u32 $0x20, v2;
	_ =	sdelay $0x2  }
0x38: {  	[tilespmem:$0xC80] =	vst v0;
	s8 =	simm.s32 $0x0;
	s9 =	simm.s32 $0xC80  }
0x39: {  	[hbm4b:s7+s8] =	stream.linear.scatter [tilespmem:s9], [sflag:$0x3], $0x80, $0x38;
	[tilespmem:$0xE00] =	vst v63  }
0x3a: {  	v2 =	vld.idx.msk [tilespmem:v2+s8+$0x0], $0xffff;
	_ =	sdelay $0x1  }
0x3b: {  	v3 =	vtrunc.f32 v0;
	v1 =	vmul.u32 $0x800, v1  }
0x3c: {  	v3 =	vcvt.f32.s32 v3  }
0x3d: {  	v1 =	vadd.s32 $0x800, v1  }
0x3e: {  	vm0 =	veq.s32 v3, $0x20;
	vm1 =	veq.s32 v2, v1  }
0x3f: {  	v58 =	vimm.s32 $0x0;
	vm0 =	vmand vm0, vm1  }
0x40: {  	v1 =	vsel vm0, $0x3F800000, v58  }
0x41: {  	v59 =	vmul.f32 $3.125000000e-02, v0;
	s24 =	simm.s32 $0xD80;
	[tilespmem:$0xD80] =	vst v1  }
0x42: {  	[hbm4b:s6+s8] =	stream.linear.scatter [tilespmem:s24], [sflag:$0x3], $0x80, $0x38;
	[tilespmem:$0xE00] =	vst v63  }
0x43: {  	s25 =	simm.s32 $0xD00;
	s26 =	simm.s32 $0x2;
	[tilespmem:$0xD00] =	vst v59  }
0x44: {  	[hbm4b:s5+s8] =	stream.linear.scatter [tilespmem:s25], [sflag:$0x3], $0x80, $0x38;
	[tilespmem:$0xE00] =	vst v63  }
0x45: {  	_ =	swait.ge [sflag:s26], $0x80  }
0x46: {  	[sflag:s26] =	ssyncset.done $0x0  }
0x47: {  	[sflag:s26] =	ssyncadd.s32 $0xFFFFFF80  }
0x48: {  	_ =	swait.ge [sflag:s26], $0x80  }
0x49: {  	[sflag:s26] =	ssyncset.done $0x0  }
0x4a: {  	[sflag:s26] =	ssyncadd.s32 $0xFFFFFF80  }
0x4b: {  	v60 =	vld [tilespmem:$0xA80];
	_ =	sdelay $0x4  }
0x4c: {  	v2 =	vmax.f32 v60, $0.0e+00  }
0x4d: {  	v2 =	vmin.f32 v2, $1.000000000e+00  }
0x4e: {  	v1 =	vmul.f32 v1, v2;
	_ =	sdelay $0x1  }
0x4f: {  	s28 =	simm.s32 $0xC00;
	[tilespmem:$0xC00] =	vst v1  }
0x50: {  	[hbm4b:s4+s8] =	stream.linear.scatter [tilespmem:s28], [sflag:$0x3], $0x80, $0x38;
	[tilespmem:$0xE00] =	vst v63  }
0x51: {  	_ = 	snop  }
0x52: {  	[hbm4b:s3+s8] =	stream.linear.scatter [tilespmem:s28], [sflag:$0x3], $0x80, $0x38;
	[tilespmem:$0xE00] =	vst v63  }
0x53: {  	v61 =	vld [tilespmem:$0xA00]  }
0x54: {  	v0 =	vmul.f32 $6.999999880e-01, v59;
	v1 =	vmul.f32 $3.000000120e-01, v1;
	_ =	sdelay $0x1  }
0x55: {  	v0 =	vadd.f32 v1, v0;
	_ =	sdelay $0x1  }
0x56: {  	v0 =	vmax.f32 v0, $0.0e+00;
	v62 =	vcvt.s32.f32 v61  }
0x57: {  	v0 =	vmin.f32 v0, $1.000000000e+00  }
0x58: {  	v0 =	vmul.f32 $4.605170250e+00, v0;
	v1 =	vmul.f32 $-1.562500000e-02, v62;
	_ =	sdelay $0x1  }
0x59: {  	v0 =	vadd.f32 $-4.605170250e+00, v0;
	v1 =	vmul.f32 $5.000000070e-02, v1;
	_ =	sdelay $0x1  }
0x5a: {  	v0 =	vadd.f32 v1, v0;
	_ =	sdelay $0x1  }
0x5b: {  	v1 =	vmul.f32 $1.442695020e+00, v0;
	_ =	sdelay $0x1  }
0x5c: {  	(erf) = vpow2.f32 v1;
	_ =	sdelay $0x7  }
0x5d: {  	s29 =	simm.s32 $0xB80;
	[tilespmem:$0xB80] =	vst v0  }
0x5e: {  	[hbm4b:s2+s8] =	stream.linear.scatter [tilespmem:s29], [sflag:$0x3], $0x80, $0x38;
	v63 =	vpop (erf);
	[tilespmem:$0xE00] =	vst v63  }
0x5f: {  	s30 =	simm.s32 $0xB00;
	s31 =	simm.s32 $0x3;
	[tilespmem:$0xB00] =	vst v63  }
0x60: {  	[hbm4b:s1+s8] =	stream.linear.scatter [tilespmem:s30], [sflag:$0x3], $0x80, $0x38;
	[tilespmem:$0xE00] =	vst v63  }
0x61: {  	_ =	swait.ge [sflag:s31], $0x80  }
0x62: {  	[sflag:s31] =	ssyncset.done $0x0  }
0x63: {  	[sflag:s31] =	ssyncadd.s32 $0xFFFFFF80  }
0x64: {  	_ =	swait.ge [sflag:s31], $0x80  }
0x65: {  	[sflag:s31] =	ssyncset.done $0x0  }
0x66: {  	[sflag:s31] =	ssyncadd.s32 $0xFFFFFF80  }
0x67: {  	_ =	swait.ge [sflag:s31], $0x80  }
0x68: {  	[sflag:s31] =	ssyncset.done $0x0  }
0x69: {  	[sflag:s31] =	ssyncadd.s32 $0xFFFFFF80  }
0x6a: {  	_ =	swait.ge [sflag:s31], $0x80  }
0x6b: {  	[sflag:s31] =	ssyncset.done $0x0  }
0x6c: {  	[sflag:s31] =	ssyncadd.s32 $0xFFFFFF80  }
0x6d: {  	_ =	swait.ge [sflag:s31], $0x80  }
0x6e: {  	[sflag:s31] =	ssyncset.done $0x0  }
0x6f: {  	[sflag:s31] =	ssyncadd.s32 $0xFFFFFF80  }
0x70: {  	_ =	swait.ge [sflag:s31], $0x80  }
0x71: {  	[sflag:s31] =	ssyncset.done $0x0  }
0x72: {  	[sflag:s31] =	ssyncadd.s32 $0xFFFFFF80  }
0x73: {  	_ =	swait.ge [sflag:s31], $0x80  }
0x74: {  	[sflag:s31] =	ssyncset.done $0x0  }
0x75: {  	[sflag:s31] =	ssyncadd.s32 $0xFFFFFF80  }
.LBB2_6:
0x76: {  	_ =	sfence.sel $0x180000  }
0x77: {  	[bflag:$0x0] =	sbarrier.arrive $0xFFFF  }
0x78: {  	_ =	strace $0x90000047  }
0x79: {  	s0 =	sadd.s32 @!p0 $0x100000, s0;
	[bflag:$0x2] =	sbarrier.arrive $0xFFFF  }
0x7a: {  	[sflag:s0] =	ssyncadd.tile.s32 @!p0 $0x1;
	_ =	shalt  }
.Lfunc_end2:
_tile_overlayer_lowered:
.L_overlay_start_2:
0x7b: {  	(tag) =	ssettag $0x2  }
0x7c: {  	s0 =	rddreg [dreg:$0x0];
	s2 =	stileid.u32  }
0x7d: {  	s1 =	rddreg [dreg:$0x1];
	p0 =	sne.s32 s2, $0x0  }
0x7e: {  	s3 =	rddreg [dreg:$0x2];
	[bflag:$0x3] =	sbarrier.arrive $0xFFFF;
	s2 =	simm.s32 @!p0 $0x1C04  }
0x7f: {  	[timem:s3], [sflag:s2] =	dma.local @!p0 [hbm:s0], s1  }
0x80: {  	s0 =	simm.s32 @!p0 $0x4  }
0x81: {  	_ =	swait.ge @!p0 [sflag:s0], s1  }
0x82: {  	s1 =	ssub.s32 @!p0 $0x0, s1;
	[sflag:s0] =	ssyncset.done @!p0 $0x0  }
0x83: {  	[sflag:s0] =	ssyncadd.s32 @!p0 s1  }
0x84: {  	[bflag:$0x3] =	sbarrier.arrive $0xFFFF  }
0x85: {  	_ =	shalt  }

</sc_bundles>
